<compile_context>
chip_gen: v7x
topology: tpu7x:2x2x1
jax: 0.10.2.dev20260603
libtpu: 0.0.44.dev20260713+nightly
codegen_flags: <defaults>
</compile_context>

<pallas_src>
import functools

import jax
import jax.numpy as jnp
from jax import lax
from jax.experimental import pallas as pl
from jax.experimental.pallas import tpu as pltpu
from jax.experimental.pallas import tpu_sc as plsc

DIM = 128
MARGIN = 1.0
LANES = 16


def _trans_e_body(
    pos_hbm,
    neg_hbm,
    emb_hbm,
    out_hbm,
    idx_p,
    idx_n,
    rows_p,
    rows_n,
    out_v,
    sem_ip,
    sem_in,
    sem_gp,
    sem_gn,
):
    is_lead = lax.axis_index("s") == 0

    @pl.when(is_lead)
    def _():
        cp_p = pltpu.make_async_copy(pos_hbm, idx_p, sem_ip)
        cp_n = pltpu.make_async_copy(neg_hbm, idx_n, sem_in)
        cp_p.start()
        cp_n.start()
        g_p = pltpu.make_async_copy(emb_hbm.at[idx_p], rows_p, sem_gp)
        g_n = pltpu.make_async_copy(emb_hbm.at[idx_n], rows_n, sem_gn)
        cp_p.wait()
        g_p.start()
        cp_n.wait()
        g_n.start()

        g_p.wait()
        acc = jnp.zeros((LANES,), jnp.float32)
        for j in range(DIM // LANES):
            s = pl.ds(j * LANES, LANES)
            acc = acc + jnp.abs(rows_p[0, s] + rows_p[1, s] - rows_p[2, s])
        g_n.wait()
        for j in range(DIM // LANES):
            s = pl.ds(j * LANES, LANES)
            acc = acc - jnp.abs(rows_n[0, s] + rows_n[1, s] - rows_n[2, s])

        lanes = lax.iota(jnp.int32, LANES)
        for shift in (8, 4, 2, 1):
            perm = lax.rem(lanes + shift, LANES)
            acc = acc + acc.at[perm].get(mode="promise_in_bounds")
        out_v[...] = jnp.maximum(acc + MARGIN, 0.0)
        pltpu.sync_copy(out_v.at[pl.ds(0, 1)], out_hbm)


@jax.jit
def _trans_e_loss(pos_idx, neg_idx, embeddings):
    mesh = plsc.VectorSubcoreMesh(
        core_axis_name="c", subcore_axis_name="s", num_cores=1
    )
    k = functools.partial(
        pl.kernel,
        out_type=jax.ShapeDtypeStruct((1,), jnp.float32),
        mesh=mesh,
        scratch_types=[
            pltpu.VMEM((3,), jnp.int32),
            pltpu.VMEM((3,), jnp.int32),
            pltpu.VMEM((3, DIM), jnp.float32),
            pltpu.VMEM((3, DIM), jnp.float32),
            pltpu.VMEM((LANES,), jnp.float32),
            pltpu.SemaphoreType.DMA,
            pltpu.SemaphoreType.DMA,
            pltpu.SemaphoreType.DMA,
            pltpu.SemaphoreType.DMA,
        ],
    )(_trans_e_body)
    return jnp.reshape(k(pos_idx, neg_idx, embeddings), ())


def kernel(pos_exmpl, neg_exmpl, embeddings):
    return _trans_e_loss(
        pos_exmpl.astype(jnp.int32), neg_exmpl.astype(jnp.int32), embeddings
    )

# --- scband reference (transcript-rebuilt; emitter-appended) ---
"""Pipeline reference for scband-trans-e-15796889715364 (READ-ONLY COPY).

The authoritative reference and input builder live on the scoring server;
editing this copy changes nothing except your own understanding.
"""

import jax, jax.numpy as jnp
import numpy as np

VOCAB = 1000000
DIM = 128
MARGIN = 1.0

def setup_inputs(seed: int = 0) -> dict:
    key = jax.random.key(seed)
    k1, k2, k3 = jax.random.split(key, 3)
    pos_exmpl = jax.random.randint(k1, (3,), 0, VOCAB, dtype=jnp.int64) if jax.config.jax_enable_x64 else jax.random.randint(k1, (3,), 0, VOCAB, dtype=jnp.int32)
    neg_exmpl = jax.random.randint(k2, (3,), 0, VOCAB, dtype=jnp.int64) if jax.config.jax_enable_x64 else jax.random.randint(k2, (3,), 0, VOCAB, dtype=jnp.int32)
    embeddings = jax.random.normal(k3, (VOCAB, DIM), dtype=jnp.float32)
    return {"pos_exmpl": pos_exmpl, "neg_exmpl": neg_exmpl, "embeddings": embeddings}

def _calc_score(h_emb, r_emb, t_emb):
    return jnp.sum(jnp.abs(h_emb + r_emb - t_emb))

def reference(pos_exmpl, neg_exmpl, embeddings):
    # embedding lookups: gather rows from the table (SparseCore-friendly)
    pos_h_emb = jnp.take(embeddings, pos_exmpl[0], axis=0)[None, :]
    pos_r_emb = jnp.take(embeddings, pos_exmpl[1], axis=0)[None, :]
    pos_t_emb = jnp.take(embeddings, pos_exmpl[2], axis=0)[None, :]
    neg_h_emb = jnp.take(embeddings, neg_exmpl[0], axis=0)[None, :]
    neg_r_emb = jnp.take(embeddings, neg_exmpl[1], axis=0)[None, :]
    neg_t_emb = jnp.take(embeddings, neg_exmpl[2], axis=0)[None, :]
    pos_score = _calc_score(pos_h_emb, pos_r_emb, pos_t_emb)
    neg_score = _calc_score(neg_h_emb, neg_r_emb, neg_t_emb)
    # MarginRankingLoss with y = -1, sum reduction:
    # loss = sum(max(0, -y*(x1 - x2) + margin)) = max(0, (pos - neg) + margin)
    loss = jnp.sum(jnp.maximum(0.0, (pos_score - neg_score) + MARGIN))
    return loss

if __name__ == "__main__":
    import jax
    _d = setup_inputs()
    print(jax.jit(kernel)(*tuple(_d.values())))

</pallas_src>

<mosaic_0001>
#map = affine_map<(d0, d1) -> (0)>
#map1 = affine_map<(d0, d1) -> (0, 0)>
module attributes {stable_mosaic.version = 14 : i64} {
  func.func @_trans_e_body(%arg0: i32, %arg1: i32, %arg2: memref<3xi32, #tpu.memory_space<hbm>>, %arg3: memref<3xi32, #tpu.memory_space<hbm>>, %arg4: memref<1000000x128xf32, #tpu.memory_space<hbm>>, %arg5: memref<1xf32, #tpu.memory_space<hbm>>, %arg6: memref<3xi32, #tpu.memory_space<vmem>>, %arg7: memref<3xi32, #tpu.memory_space<vmem>>, %arg8: memref<3x128xf32, #tpu.memory_space<vmem>>, %arg9: memref<3x128xf32, #tpu.memory_space<vmem>>, %arg10: memref<16xf32, #tpu.memory_space<vmem>>, %arg11: memref<!tpu.dma_semaphore, #tpu.memory_space<semaphore_mem>>, %arg12: memref<!tpu.dma_semaphore, #tpu.memory_space<semaphore_mem>>, %arg13: memref<!tpu.dma_semaphore, #tpu.memory_space<semaphore_mem>>, %arg14: memref<!tpu.dma_semaphore, #tpu.memory_space<semaphore_mem>>) attributes {dimension_semantics = [#tpu.dimension_semantics<core_parallel>, #tpu.dimension_semantics<subcore_parallel>], iteration_bounds = array<i64: 1, 16>, scalar_prefetch = 0 : i64, scratch_operands = 9 : i64, tpu.core_type = #tpu.core_type<sc_vector_subcore>, window_params = [{transform_indices = #map}, {transform_indices = #map}, {transform_indices = #map1}, {transform_indices = #map}]} {
    %eq3A = arith.constant 0 : i32
    %eq3A_0 = arith.cmpi eq, %arg1, %eq3A : i32
    %convert_element_type3A = arith.extui %eq3A_0 : i1 to i32
    %cond3A = arith.constant 0 : i32
    %cond3A_1 = arith.cmpi ne, %convert_element_type3A, %cond3A : i32
    scf.if %cond3A_1 {
      tpu.enqueue_dma source(%arg2 : memref<3xi32, #tpu.memory_space<hbm>>) target(%arg6 : memref<3xi32, #tpu.memory_space<vmem>>) target_semaphore(%arg11 : memref<!tpu.dma_semaphore, #tpu.memory_space<semaphore_mem>>)
      tpu.enqueue_dma source(%arg3 : memref<3xi32, #tpu.memory_space<hbm>>) target(%arg7 : memref<3xi32, #tpu.memory_space<vmem>>) target_semaphore(%arg12 : memref<!tpu.dma_semaphore, #tpu.memory_space<semaphore_mem>>)
      tpu.wait_dma2 semaphore(%arg11 : memref<!tpu.dma_semaphore, #tpu.memory_space<semaphore_mem>>) src(%arg2 : memref<3xi32, #tpu.memory_space<hbm>>) dst(%arg6 : memref<3xi32, #tpu.memory_space<vmem>>)
      %dma_start3A = arith.constant 0 : i32
      %dma_start3A_2 = arith.constant 0 : i32
      %dma_start3A_3 = tpu.memref_slice %arg4[%dma_start3A, %dma_start3A_2] : memref<1000000x128xf32, #tpu.memory_space<hbm>> -> memref<1000000x128xf32, #tpu.memory_space<hbm>>
      tpu.enqueue_indirect_dma source(%dma_start3A_3 : memref<1000000x128xf32, #tpu.memory_space<hbm>>) target(%arg8 : memref<3x128xf32, #tpu.memory_space<vmem>>) offsets(%arg6 : memref<3xi32, #tpu.memory_space<vmem>>) semaphore(%arg13 : memref<!tpu.dma_semaphore, #tpu.memory_space<semaphore_mem>>)
      tpu.wait_dma2 semaphore(%arg12 : memref<!tpu.dma_semaphore, #tpu.memory_space<semaphore_mem>>) src(%arg3 : memref<3xi32, #tpu.memory_space<hbm>>) dst(%arg7 : memref<3xi32, #tpu.memory_space<vmem>>)
      %dma_start3A_4 = arith.constant 0 : i32
      %dma_start3A_5 = arith.constant 0 : i32
      %dma_start3A_6 = tpu.memref_slice %arg4[%dma_start3A_4, %dma_start3A_5] : memref<1000000x128xf32, #tpu.memory_space<hbm>> -> memref<1000000x128xf32, #tpu.memory_space<hbm>>
      tpu.enqueue_indirect_dma source(%dma_start3A_6 : memref<1000000x128xf32, #tpu.memory_space<hbm>>) target(%arg9 : memref<3x128xf32, #tpu.memory_space<vmem>>) offsets(%arg7 : memref<3xi32, #tpu.memory_space<vmem>>) semaphore(%arg14 : memref<!tpu.dma_semaphore, #tpu.memory_space<semaphore_mem>>)
      %dma_wait3A = arith.constant 0 : i32
      %dma_wait3A_7 = arith.constant 0 : i32
      %dma_wait3A_8 = tpu.memref_slice %arg4[%dma_wait3A, %dma_wait3A_7] : memref<1000000x128xf32, #tpu.memory_space<hbm>> -> memref<1000000x128xf32, #tpu.memory_space<hbm>>
      tpu.wait_indirect_dma semaphore(%arg13 : memref<!tpu.dma_semaphore, #tpu.memory_space<semaphore_mem>>) src(%dma_wait3A_8 : memref<1000000x128xf32, #tpu.memory_space<hbm>>) dst(%arg8 : memref<3x128xf32, #tpu.memory_space<vmem>>)
      %broadcast_in_dim3A = arith.constant 0.000000e+00 : f32
      %broadcast_in_dim3A_9 = vector.broadcast %broadcast_in_dim3A : f32 to vector<16xf32>
      %get3A = arith.constant 0 : i32
      %get3A_10 = arith.index_cast %get3A : i32 to index
      %get3A_11 = arith.constant 0 : index
      %get3A_12 = tpu.vector_load %arg8[%get3A_10, %get3A_11] {strides = array<i32>} : memref<3x128xf32, #tpu.memory_space<vmem>>, vector<1x16xf32>,
      %get3A_13 = vector.shape_cast %get3A_12 : vector<1x16xf32> to vector<16xf32>
      %get3A_14 = arith.constant 1 : i32
      %get3A_15 = arith.index_cast %get3A_14 : i32 to index
      %get3A_16 = arith.constant 0 : index
      %get3A_17 = tpu.vector_load %arg8[%get3A_15, %get3A_16] {strides = array<i32>} : memref<3x128xf32, #tpu.memory_space<vmem>>, vector<1x16xf32>,
      %get3A_18 = vector.shape_cast %get3A_17 : vector<1x16xf32> to vector<16xf32>
      %add3A = arith.addf %get3A_13, %get3A_18 : vector<16xf32>
      %get3A_19 = arith.constant 2 : i32
      %get3A_20 = arith.index_cast %get3A_19 : i32 to index
      %get3A_21 = arith.constant 0 : index
      %get3A_22 = tpu.vector_load %arg8[%get3A_20, %get3A_21] {strides = array<i32>} : memref<3x128xf32, #tpu.memory_space<vmem>>, vector<1x16xf32>,
      %get3A_23 = vector.shape_cast %get3A_22 : vector<1x16xf32> to vector<16xf32>
      %sub3A = arith.subf %add3A, %get3A_23 : vector<16xf32>
      %abs3A = math.absf %sub3A : vector<16xf32>
      %add3A_24 = arith.addf %broadcast_in_dim3A_9, %abs3A : vector<16xf32>
      %get3A_25 = arith.constant 0 : i32
      %get3A_26 = arith.index_cast %get3A_25 : i32 to index
      %get3A_27 = arith.constant 16 : index
      %get3A_28 = tpu.vector_load %arg8[%get3A_26, %get3A_27] {strides = array<i32>} : memref<3x128xf32, #tpu.memory_space<vmem>>, vector<1x16xf32>,
      %get3A_29 = vector.shape_cast %get3A_28 : vector<1x16xf32> to vector<16xf32>
      %get3A_30 = arith.constant 1 : i32
      %get3A_31 = arith.index_cast %get3A_30 : i32 to index
      %get3A_32 = arith.constant 16 : index
      %get3A_33 = tpu.vector_load %arg8[%get3A_31, %get3A_32] {strides = array<i32>} : memref<3x128xf32, #tpu.memory_space<vmem>>, vector<1x16xf32>,
      %get3A_34 = vector.shape_cast %get3A_33 : vector<1x16xf32> to vector<16xf32>
      %add3A_35 = arith.addf %get3A_29, %get3A_34 : vector<16xf32>
      %get3A_36 = arith.constant 2 : i32
      %get3A_37 = arith.index_cast %get3A_36 : i32 to index
      %get3A_38 = arith.constant 16 : index
      %get3A_39 = tpu.vector_load %arg8[%get3A_37, %get3A_38] {strides = array<i32>} : memref<3x128xf32, #tpu.memory_space<vmem>>, vector<1x16xf32>,
      %get3A_40 = vector.shape_cast %get3A_39 : vector<1x16xf32> to vector<16xf32>
      %sub3A_41 = arith.subf %add3A_35, %get3A_40 : vector<16xf32>
      %abs3A_42 = math.absf %sub3A_41 : vector<16xf32>
      %add3A_43 = arith.addf %add3A_24, %abs3A_42 : vector<16xf32>
      %get3A_44 = arith.constant 0 : i32
      %get3A_45 = arith.index_cast %get3A_44 : i32 to index
      %get3A_46 = arith.constant 32 : index
      %get3A_47 = tpu.vector_load %arg8[%get3A_45, %get3A_46] {strides = array<i32>} : memref<3x128xf32, #tpu.memory_space<vmem>>, vector<1x16xf32>,
      %get3A_48 = vector.shape_cast %get3A_47 : vector<1x16xf32> to vector<16xf32>
      %get3A_49 = arith.constant 1 : i32
      %get3A_50 = arith.index_cast %get3A_49 : i32 to index
      %get3A_51 = arith.constant 32 : index
      %get3A_52 = tpu.vector_load %arg8[%get3A_50, %get3A_51] {strides = array<i32>} : memref<3x128xf32, #tpu.memory_space<vmem>>, vector<1x16xf32>,
      %get3A_53 = vector.shape_cast %get3A_52 : vector<1x16xf32> to vector<16xf32>
      %add3A_54 = arith.addf %get3A_48, %get3A_53 : vector<16xf32>
      %get3A_55 = arith.constant 2 : i32
      %get3A_56 = arith.index_cast %get3A_55 : i32 to index
      %get3A_57 = arith.constant 32 : index
      %get3A_58 = tpu.vector_load %arg8[%get3A_56, %get3A_57] {strides = array<i32>} : memref<3x128xf32, #tpu.memory_space<vmem>>, vector<1x16xf32>,
      %get3A_59 = vector.shape_cast %get3A_58 : vector<1x16xf32> to vector<16xf32>
      %sub3A_60 = arith.subf %add3A_54, %get3A_59 : vector<16xf32>
      %abs3A_61 = math.absf %sub3A_60 : vector<16xf32>
      %add3A_62 = arith.addf %add3A_43, %abs3A_61 : vector<16xf32>
      %get3A_63 = arith.constant 0 : i32
      %get3A_64 = arith.index_cast %get3A_63 : i32 to index
      %get3A_65 = arith.constant 48 : index
      %get3A_66 = tpu.vector_load %arg8[%get3A_64, %get3A_65] {strides = array<i32>} : memref<3x128xf32, #tpu.memory_space<vmem>>, vector<1x16xf32>,
      %get3A_67 = vector.shape_cast %get3A_66 : vector<1x16xf32> to vector<16xf32>
      %get3A_68 = arith.constant 1 : i32
      %get3A_69 = arith.index_cast %get3A_68 : i32 to index
      %get3A_70 = arith.constant 48 : index
      %get3A_71 = tpu.vector_load %arg8[%get3A_69, %get3A_70] {strides = array<i32>} : memref<3x128xf32, #tpu.memory_space<vmem>>, vector<1x16xf32>,
      %get3A_72 = vector.shape_cast %get3A_71 : vector<1x16xf32> to vector<16xf32>
      %add3A_73 = arith.addf %get3A_67, %get3A_72 : vector<16xf32>
      %get3A_74 = arith.constant 2 : i32
      %get3A_75 = arith.index_cast %get3A_74 : i32 to index
      %get3A_76 = arith.constant 48 : index
      %get3A_77 = tpu.vector_load %arg8[%get3A_75, %get3A_76] {strides = array<i32>} : memref<3x128xf32, #tpu.memory_space<vmem>>, vector<1x16xf32>,
      %get3A_78 = vector.shape_cast %get3A_77 : vector<1x16xf32> to vector<16xf32>
      %sub3A_79 = arith.subf %add3A_73, %get3A_78 : vector<16xf32>
      %abs3A_80 = math.absf %sub3A_79 : vector<16xf32>
      %add3A_81 = arith.addf %add3A_62, %abs3A_80 : vector<16xf32>
      %get3A_82 = arith.constant 0 : i32
      %get3A_83 = arith.index_cast %get3A_82 : i32 to index
      %get3A_84 = arith.constant 64 : index
      %get3A_85 = tpu.vector_load %arg8[%get3A_83, %get3A_84] {strides = array<i32>} : memref<3x128xf32, #tpu.memory_space<vmem>>, vector<1x16xf32>,
      %get3A_86 = vector.shape_cast %get3A_85 : vector<1x16xf32> to vector<16xf32>
      %get3A_87 = arith.constant 1 : i32
      %get3A_88 = arith.index_cast %get3A_87 : i32 to index
      %get3A_89 = arith.constant 64 : index
      %get3A_90 = tpu.vector_load %arg8[%get3A_88, %get3A_89] {strides = array<i32>} : memref<3x128xf32, #tpu.memory_space<vmem>>, vector<1x16xf32>,
      %get3A_91 = vector.shape_cast %get3A_90 : vector<1x16xf32> to vector<16xf32>
      %add3A_92 = arith.addf %get3A_86, %get3A_91 : vector<16xf32>
      %get3A_93 = arith.constant 2 : i32
      %get3A_94 = arith.index_cast %get3A_93 : i32 to index
      %get3A_95 = arith.constant 64 : index
      %get3A_96 = tpu.vector_load %arg8[%get3A_94, %get3A_95] {strides = array<i32>} : memref<3x128xf32, #tpu.memory_space<vmem>>, vector<1x16xf32>,
      %get3A_97 = vector.shape_cast %get3A_96 : vector<1x16xf32> to vector<16xf32>
      %sub3A_98 = arith.subf %add3A_92, %get3A_97 : vector<16xf32>
      %abs3A_99 = math.absf %sub3A_98 : vector<16xf32>
      %add3A_100 = arith.addf %add3A_81, %abs3A_99 : vector<16xf32>
      %get3A_101 = arith.constant 0 : i32
      %get3A_102 = arith.index_cast %get3A_101 : i32 to index
      %get3A_103 = arith.constant 80 : index
      %get3A_104 = tpu.vector_load %arg8[%get3A_102, %get3A_103] {strides = array<i32>} : memref<3x128xf32, #tpu.memory_space<vmem>>, vector<1x16xf32>,
      %get3A_105 = vector.shape_cast %get3A_104 : vector<1x16xf32> to vector<16xf32>
      %get3A_106 = arith.constant 1 : i32
      %get3A_107 = arith.index_cast %get3A_106 : i32 to index
      %get3A_108 = arith.constant 80 : index
      %get3A_109 = tpu.vector_load %arg8[%get3A_107, %get3A_108] {strides = array<i32>} : memref<3x128xf32, #tpu.memory_space<vmem>>, vector<1x16xf32>,
      %get3A_110 = vector.shape_cast %get3A_109 : vector<1x16xf32> to vector<16xf32>
      %add3A_111 = arith.addf %get3A_105, %get3A_110 : vector<16xf32>
      %get3A_112 = arith.constant 2 : i32
      %get3A_113 = arith.index_cast %get3A_112 : i32 to index
      %get3A_114 = arith.constant 80 : index
      %get3A_115 = tpu.vector_load %arg8[%get3A_113, %get3A_114] {strides = array<i32>} : memref<3x128xf32, #tpu.memory_space<vmem>>, vector<1x16xf32>,
      %get3A_116 = vector.shape_cast %get3A_115 : vector<1x16xf32> to vector<16xf32>
      %sub3A_117 = arith.subf %add3A_111, %get3A_116 : vector<16xf32>
      %abs3A_118 = math.absf %sub3A_117 : vector<16xf32>
      %add3A_119 = arith.addf %add3A_100, %abs3A_118 : vector<16xf32>
      %get3A_120 = arith.constant 0 : i32
      %get3A_121 = arith.index_cast %get3A_120 : i32 to index
      %get3A_122 = arith.constant 96 : index
      %get3A_123 = tpu.vector_load %arg8[%get3A_121, %get3A_122] {strides = array<i32>} : memref<3x128xf32, #tpu.memory_space<vmem>>, vector<1x16xf32>,
      %get3A_124 = vector.shape_cast %get3A_123 : vector<1x16xf32> to vector<16xf32>
      %get3A_125 = arith.constant 1 : i32
      %get3A_126 = arith.index_cast %get3A_125 : i32 to index
      %get3A_127 = arith.constant 96 : index
      %get3A_128 = tpu.vector_load %arg8[%get3A_126, %get3A_127] {strides = array<i32>} : memref<3x128xf32, #tpu.memory_space<vmem>>, vector<1x16xf32>,
      %get3A_129 = vector.shape_cast %get3A_128 : vector<1x16xf32> to vector<16xf32>
      %add3A_130 = arith.addf %get3A_124, %get3A_129 : vector<16xf32>
      %get3A_131 = arith.constant 2 : i32
      %get3A_132 = arith.index_cast %get3A_131 : i32 to index
      %get3A_133 = arith.constant 96 : index
      %get3A_134 = tpu.vector_load %arg8[%get3A_132, %get3A_133] {strides = array<i32>} : memref<3x128xf32, #tpu.memory_space<vmem>>, vector<1x16xf32>,
      %get3A_135 = vector.shape_cast %get3A_134 : vector<1x16xf32> to vector<16xf32>
      %sub3A_136 = arith.subf %add3A_130, %get3A_135 : vector<16xf32>
      %abs3A_137 = math.absf %sub3A_136 : vector<16xf32>
      %add3A_138 = arith.addf %add3A_119, %abs3A_137 : vector<16xf32>
      %get3A_139 = arith.constant 0 : i32
      %get3A_140 = arith.index_cast %get3A_139 : i32 to index
      %get3A_141 = arith.constant 112 : index
      %get3A_142 = tpu.vector_load %arg8[%get3A_140, %get3A_141] {strides = array<i32>} : memref<3x128xf32, #tpu.memory_space<vmem>>, vector<1x16xf32>,
      %get3A_143 = vector.shape_cast %get3A_142 : vector<1x16xf32> to vector<16xf32>
      %get3A_144 = arith.constant 1 : i32
      %get3A_145 = arith.index_cast %get3A_144 : i32 to index
      %get3A_146 = arith.constant 112 : index
      %get3A_147 = tpu.vector_load %arg8[%get3A_145, %get3A_146] {strides = array<i32>} : memref<3x128xf32, #tpu.memory_space<vmem>>, vector<1x16xf32>,
      %get3A_148 = vector.shape_cast %get3A_147 : vector<1x16xf32> to vector<16xf32>
      %add3A_149 = arith.addf %get3A_143, %get3A_148 : vector<16xf32>
      %get3A_150 = arith.constant 2 : i32
      %get3A_151 = arith.index_cast %get3A_150 : i32 to index
      %get3A_152 = arith.constant 112 : index
      %get3A_153 = tpu.vector_load %arg8[%get3A_151, %get3A_152] {strides = array<i32>} : memref<3x128xf32, #tpu.memory_space<vmem>>, vector<1x16xf32>,
      %get3A_154 = vector.shape_cast %get3A_153 : vector<1x16xf32> to vector<16xf32>
      %sub3A_155 = arith.subf %add3A_149, %get3A_154 : vector<16xf32>
      %abs3A_156 = math.absf %sub3A_155 : vector<16xf32>
      %add3A_157 = arith.addf %add3A_138, %abs3A_156 : vector<16xf32>
      %dma_wait3A_158 = arith.constant 0 : i32
      %dma_wait3A_159 = arith.constant 0 : i32
      %dma_wait3A_160 = tpu.memref_slice %arg4[%dma_wait3A_158, %dma_wait3A_159] : memref<1000000x128xf32, #tpu.memory_space<hbm>> -> memref<1000000x128xf32, #tpu.memory_space<hbm>>
      tpu.wait_indirect_dma semaphore(%arg14 : memref<!tpu.dma_semaphore, #tpu.memory_space<semaphore_mem>>) src(%dma_wait3A_160 : memref<1000000x128xf32, #tpu.memory_space<hbm>>) dst(%arg9 : memref<3x128xf32, #tpu.memory_space<vmem>>)
      %get3A_161 = arith.constant 0 : i32
      %get3A_162 = arith.index_cast %get3A_161 : i32 to index
      %get3A_163 = arith.constant 0 : index
      %get3A_164 = tpu.vector_load %arg9[%get3A_162, %get3A_163] {strides = array<i32>} : memref<3x128xf32, #tpu.memory_space<vmem>>, vector<1x16xf32>,
      %get3A_165 = vector.shape_cast %get3A_164 : vector<1x16xf32> to vector<16xf32>
      %get3A_166 = arith.constant 1 : i32
      %get3A_167 = arith.index_cast %get3A_166 : i32 to index
      %get3A_168 = arith.constant 0 : index
      %get3A_169 = tpu.vector_load %arg9[%get3A_167, %get3A_168] {strides = array<i32>} : memref<3x128xf32, #tpu.memory_space<vmem>>, vector<1x16xf32>,
      %get3A_170 = vector.shape_cast %get3A_169 : vector<1x16xf32> to vector<16xf32>
      %add3A_171 = arith.addf %get3A_165, %get3A_170 : vector<16xf32>
      %get3A_172 = arith.constant 2 : i32
      %get3A_173 = arith.index_cast %get3A_172 : i32 to index
      %get3A_174 = arith.constant 0 : index
      %get3A_175 = tpu.vector_load %arg9[%get3A_173, %get3A_174] {strides = array<i32>} : memref<3x128xf32, #tpu.memory_space<vmem>>, vector<1x16xf32>,
      %get3A_176 = vector.shape_cast %get3A_175 : vector<1x16xf32> to vector<16xf32>
      %sub3A_177 = arith.subf %add3A_171, %get3A_176 : vector<16xf32>
      %abs3A_178 = math.absf %sub3A_177 : vector<16xf32>
      %sub3A_179 = arith.subf %add3A_157, %abs3A_178 : vector<16xf32>
      %get3A_180 = arith.constant 0 : i32
      %get3A_181 = arith.index_cast %get3A_180 : i32 to index
      %get3A_182 = arith.constant 16 : index
      %get3A_183 = tpu.vector_load %arg9[%get3A_181, %get3A_182] {strides = array<i32>} : memref<3x128xf32, #tpu.memory_space<vmem>>, vector<1x16xf32>,
      %get3A_184 = vector.shape_cast %get3A_183 : vector<1x16xf32> to vector<16xf32>
      %get3A_185 = arith.constant 1 : i32
      %get3A_186 = arith.index_cast %get3A_185 : i32 to index
      %get3A_187 = arith.constant 16 : index
      %get3A_188 = tpu.vector_load %arg9[%get3A_186, %get3A_187] {strides = array<i32>} : memref<3x128xf32, #tpu.memory_space<vmem>>, vector<1x16xf32>,
      %get3A_189 = vector.shape_cast %get3A_188 : vector<1x16xf32> to vector<16xf32>
      %add3A_190 = arith.addf %get3A_184, %get3A_189 : vector<16xf32>
      %get3A_191 = arith.constant 2 : i32
      %get3A_192 = arith.index_cast %get3A_191 : i32 to index
      %get3A_193 = arith.constant 16 : index
      %get3A_194 = tpu.vector_load %arg9[%get3A_192, %get3A_193] {strides = array<i32>} : memref<3x128xf32, #tpu.memory_space<vmem>>, vector<1x16xf32>,
      %get3A_195 = vector.shape_cast %get3A_194 : vector<1x16xf32> to vector<16xf32>
      %sub3A_196 = arith.subf %add3A_190, %get3A_195 : vector<16xf32>
      %abs3A_197 = math.absf %sub3A_196 : vector<16xf32>
      %sub3A_198 = arith.subf %sub3A_179, %abs3A_197 : vector<16xf32>
      %get3A_199 = arith.constant 0 : i32
      %get3A_200 = arith.index_cast %get3A_199 : i32 to index
      %get3A_201 = arith.constant 32 : index
      %get3A_202 = tpu.vector_load %arg9[%get3A_200, %get3A_201] {strides = array<i32>} : memref<3x128xf32, #tpu.memory_space<vmem>>, vector<1x16xf32>,
      %get3A_203 = vector.shape_cast %get3A_202 : vector<1x16xf32> to vector<16xf32>
      %get3A_204 = arith.constant 1 : i32
      %get3A_205 = arith.index_cast %get3A_204 : i32 to index
      %get3A_206 = arith.constant 32 : index
      %get3A_207 = tpu.vector_load %arg9[%get3A_205, %get3A_206] {strides = array<i32>} : memref<3x128xf32, #tpu.memory_space<vmem>>, vector<1x16xf32>,
      %get3A_208 = vector.shape_cast %get3A_207 : vector<1x16xf32> to vector<16xf32>
      %add3A_209 = arith.addf %get3A_203, %get3A_208 : vector<16xf32>
      %get3A_210 = arith.constant 2 : i32
      %get3A_211 = arith.index_cast %get3A_210 : i32 to index
      %get3A_212 = arith.constant 32 : index
      %get3A_213 = tpu.vector_load %arg9[%get3A_211, %get3A_212] {strides = array<i32>} : memref<3x128xf32, #tpu.memory_space<vmem>>, vector<1x16xf32>,
      %get3A_214 = vector.shape_cast %get3A_213 : vector<1x16xf32> to vector<16xf32>
      %sub3A_215 = arith.subf %add3A_209, %get3A_214 : vector<16xf32>
      %abs3A_216 = math.absf %sub3A_215 : vector<16xf32>
      %sub3A_217 = arith.subf %sub3A_198, %abs3A_216 : vector<16xf32>
      %get3A_218 = arith.constant 0 : i32
      %get3A_219 = arith.index_cast %get3A_218 : i32 to index
      %get3A_220 = arith.constant 48 : index
      %get3A_221 = tpu.vector_load %arg9[%get3A_219, %get3A_220] {strides = array<i32>} : memref<3x128xf32, #tpu.memory_space<vmem>>, vector<1x16xf32>,
      %get3A_222 = vector.shape_cast %get3A_221 : vector<1x16xf32> to vector<16xf32>
      %get3A_223 = arith.constant 1 : i32
      %get3A_224 = arith.index_cast %get3A_223 : i32 to index
      %get3A_225 = arith.constant 48 : index
      %get3A_226 = tpu.vector_load %arg9[%get3A_224, %get3A_225] {strides = array<i32>} : memref<3x128xf32, #tpu.memory_space<vmem>>, vector<1x16xf32>,
      %get3A_227 = vector.shape_cast %get3A_226 : vector<1x16xf32> to vector<16xf32>
      %add3A_228 = arith.addf %get3A_222, %get3A_227 : vector<16xf32>
      %get3A_229 = arith.constant 2 : i32
      %get3A_230 = arith.index_cast %get3A_229 : i32 to index
      %get3A_231 = arith.constant 48 : index
      %get3A_232 = tpu.vector_load %arg9[%get3A_230, %get3A_231] {strides = array<i32>} : memref<3x128xf32, #tpu.memory_space<vmem>>, vector<1x16xf32>,
      %get3A_233 = vector.shape_cast %get3A_232 : vector<1x16xf32> to vector<16xf32>
      %sub3A_234 = arith.subf %add3A_228, %get3A_233 : vector<16xf32>
      %abs3A_235 = math.absf %sub3A_234 : vector<16xf32>
      %sub3A_236 = arith.subf %sub3A_217, %abs3A_235 : vector<16xf32>
      %get3A_237 = arith.constant 0 : i32
      %get3A_238 = arith.index_cast %get3A_237 : i32 to index
      %get3A_239 = arith.constant 64 : index
      %get3A_240 = tpu.vector_load %arg9[%get3A_238, %get3A_239] {strides = array<i32>} : memref<3x128xf32, #tpu.memory_space<vmem>>, vector<1x16xf32>,
      %get3A_241 = vector.shape_cast %get3A_240 : vector<1x16xf32> to vector<16xf32>
      %get3A_242 = arith.constant 1 : i32
      %get3A_243 = arith.index_cast %get3A_242 : i32 to index
      %get3A_244 = arith.constant 64 : index
      %get3A_245 = tpu.vector_load %arg9[%get3A_243, %get3A_244] {strides = array<i32>} : memref<3x128xf32, #tpu.memory_space<vmem>>, vector<1x16xf32>,
      %get3A_246 = vector.shape_cast %get3A_245 : vector<1x16xf32> to vector<16xf32>
      %add3A_247 = arith.addf %get3A_241, %get3A_246 : vector<16xf32>
      %get3A_248 = arith.constant 2 : i32
      %get3A_249 = arith.index_cast %get3A_248 : i32 to index
      %get3A_250 = arith.constant 64 : index
      %get3A_251 = tpu.vector_load %arg9[%get3A_249, %get3A_250] {strides = array<i32>} : memref<3x128xf32, #tpu.memory_space<vmem>>, vector<1x16xf32>,
      %get3A_252 = vector.shape_cast %get3A_251 : vector<1x16xf32> to vector<16xf32>
      %sub3A_253 = arith.subf %add3A_247, %get3A_252 : vector<16xf32>
      %abs3A_254 = math.absf %sub3A_253 : vector<16xf32>
      %sub3A_255 = arith.subf %sub3A_236, %abs3A_254 : vector<16xf32>
      %get3A_256 = arith.constant 0 : i32
      %get3A_257 = arith.index_cast %get3A_256 : i32 to index
      %get3A_258 = arith.constant 80 : index
      %get3A_259 = tpu.vector_load %arg9[%get3A_257, %get3A_258] {strides = array<i32>} : memref<3x128xf32, #tpu.memory_space<vmem>>, vector<1x16xf32>,
      %get3A_260 = vector.shape_cast %get3A_259 : vector<1x16xf32> to vector<16xf32>
      %get3A_261 = arith.constant 1 : i32
      %get3A_262 = arith.index_cast %get3A_261 : i32 to index
      %get3A_263 = arith.constant 80 : index
      %get3A_264 = tpu.vector_load %arg9[%get3A_262, %get3A_263] {strides = array<i32>} : memref<3x128xf32, #tpu.memory_space<vmem>>, vector<1x16xf32>,
      %get3A_265 = vector.shape_cast %get3A_264 : vector<1x16xf32> to vector<16xf32>
      %add3A_266 = arith.addf %get3A_260, %get3A_265 : vector<16xf32>
      %get3A_267 = arith.constant 2 : i32
      %get3A_268 = arith.index_cast %get3A_267 : i32 to index
      %get3A_269 = arith.constant 80 : index
      %get3A_270 = tpu.vector_load %arg9[%get3A_268, %get3A_269] {strides = array<i32>} : memref<3x128xf32, #tpu.memory_space<vmem>>, vector<1x16xf32>,
      %get3A_271 = vector.shape_cast %get3A_270 : vector<1x16xf32> to vector<16xf32>
      %sub3A_272 = arith.subf %add3A_266, %get3A_271 : vector<16xf32>
      %abs3A_273 = math.absf %sub3A_272 : vector<16xf32>
      %sub3A_274 = arith.subf %sub3A_255, %abs3A_273 : vector<16xf32>
      %get3A_275 = arith.constant 0 : i32
      %get3A_276 = arith.index_cast %get3A_275 : i32 to index
      %get3A_277 = arith.constant 96 : index
      %get3A_278 = tpu.vector_load %arg9[%get3A_276, %get3A_277] {strides = array<i32>} : memref<3x128xf32, #tpu.memory_space<vmem>>, vector<1x16xf32>,
      %get3A_279 = vector.shape_cast %get3A_278 : vector<1x16xf32> to vector<16xf32>
      %get3A_280 = arith.constant 1 : i32
      %get3A_281 = arith.index_cast %get3A_280 : i32 to index
      %get3A_282 = arith.constant 96 : index
      %get3A_283 = tpu.vector_load %arg9[%get3A_281, %get3A_282] {strides = array<i32>} : memref<3x128xf32, #tpu.memory_space<vmem>>, vector<1x16xf32>,
      %get3A_284 = vector.shape_cast %get3A_283 : vector<1x16xf32> to vector<16xf32>
      %add3A_285 = arith.addf %get3A_279, %get3A_284 : vector<16xf32>
      %get3A_286 = arith.constant 2 : i32
      %get3A_287 = arith.index_cast %get3A_286 : i32 to index
      %get3A_288 = arith.constant 96 : index
      %get3A_289 = tpu.vector_load %arg9[%get3A_287, %get3A_288] {strides = array<i32>} : memref<3x128xf32, #tpu.memory_space<vmem>>, vector<1x16xf32>,
      %get3A_290 = vector.shape_cast %get3A_289 : vector<1x16xf32> to vector<16xf32>
      %sub3A_291 = arith.subf %add3A_285, %get3A_290 : vector<16xf32>
      %abs3A_292 = math.absf %sub3A_291 : vector<16xf32>
      %sub3A_293 = arith.subf %sub3A_274, %abs3A_292 : vector<16xf32>
      %get3A_294 = arith.constant 0 : i32
      %get3A_295 = arith.index_cast %get3A_294 : i32 to index
      %get3A_296 = arith.constant 112 : index
      %get3A_297 = tpu.vector_load %arg9[%get3A_295, %get3A_296] {strides = array<i32>} : memref<3x128xf32, #tpu.memory_space<vmem>>, vector<1x16xf32>,
      %get3A_298 = vector.shape_cast %get3A_297 : vector<1x16xf32> to vector<16xf32>
      %get3A_299 = arith.constant 1 : i32
      %get3A_300 = arith.index_cast %get3A_299 : i32 to index
      %get3A_301 = arith.constant 112 : index
      %get3A_302 = tpu.vector_load %arg9[%get3A_300, %get3A_301] {strides = array<i32>} : memref<3x128xf32, #tpu.memory_space<vmem>>, vector<1x16xf32>,
      %get3A_303 = vector.shape_cast %get3A_302 : vector<1x16xf32> to vector<16xf32>
      %add3A_304 = arith.addf %get3A_298, %get3A_303 : vector<16xf32>
      %get3A_305 = arith.constant 2 : i32
      %get3A_306 = arith.index_cast %get3A_305 : i32 to index
      %get3A_307 = arith.constant 112 : index
      %get3A_308 = tpu.vector_load %arg9[%get3A_306, %get3A_307] {strides = array<i32>} : memref<3x128xf32, #tpu.memory_space<vmem>>, vector<1x16xf32>,
      %get3A_309 = vector.shape_cast %get3A_308 : vector<1x16xf32> to vector<16xf32>
      %sub3A_310 = arith.subf %add3A_304, %get3A_309 : vector<16xf32>
      %abs3A_311 = math.absf %sub3A_310 : vector<16xf32>
      %sub3A_312 = arith.subf %sub3A_293, %abs3A_311 : vector<16xf32>
      %iota3A = tpu.iota {dimensions = array<i32: 0>} : vector<16xi32>
      %add3A_313 = arith.constant 8 : i32
      %add3A_314 = vector.broadcast %add3A_313 : i32 to vector<16xi32>
      %add3A_315 = arith.addi %iota3A, %add3A_314 : vector<16xi32>
      %rem3A = arith.constant 16 : i32
      %rem3A_316 = vector.broadcast %rem3A : i32 to vector<16xi32>
      %rem3A_317 = arith.remsi %add3A_315, %rem3A_316 : vector<16xi32>
      %lt3A = arith.constant 0 : i32
      %lt3A_318 = vector.broadcast %lt3A : i32 to vector<16xi32>
      %lt3A_319 = arith.cmpi slt, %rem3A_317, %lt3A_318 : vector<16xi32>
      %add3A_320 = arith.constant 16 : i32
      %add3A_321 = vector.broadcast %add3A_320 : i32 to vector<16xi32>
      %add3A_322 = arith.addi %rem3A_317, %add3A_321 : vector<16xi32>
      %select_n3A = arith.select %lt3A_319, %add3A_322, %rem3A_317 : vector<16xi1>, vector<16xi32>
      %broadcast_in_dim3A_323 = vector.shape_cast %select_n3A : vector<16xi32> to vector<16x1xi32>
      %gather3A = vector.shape_cast %broadcast_in_dim3A_323 : vector<16x1xi32> to vector<16xi32>
      %gather3A_324 = tpu.dynamic_gather %sub3A_312[%gather3A] in [0] : vector<16xf32>, vector<16xi32> -> vector<16xf32>
      %add3A_325 = arith.addf %sub3A_312, %gather3A_324 : vector<16xf32>
      %add3A_326 = arith.constant 4 : i32
      %add3A_327 = vector.broadcast %add3A_326 : i32 to vector<16xi32>
      %add3A_328 = arith.addi %iota3A, %add3A_327 : vector<16xi32>
      %rem3A_329 = arith.constant 16 : i32
      %rem3A_330 = vector.broadcast %rem3A_329 : i32 to vector<16xi32>
      %rem3A_331 = arith.remsi %add3A_328, %rem3A_330 : vector<16xi32>
      %lt3A_332 = arith.constant 0 : i32
      %lt3A_333 = vector.broadcast %lt3A_332 : i32 to vector<16xi32>
      %lt3A_334 = arith.cmpi slt, %rem3A_331, %lt3A_333 : vector<16xi32>
      %add3A_335 = arith.constant 16 : i32
      %add3A_336 = vector.broadcast %add3A_335 : i32 to vector<16xi32>
      %add3A_337 = arith.addi %rem3A_331, %add3A_336 : vector<16xi32>
      %select_n3A_338 = arith.select %lt3A_334, %add3A_337, %rem3A_331 : vector<16xi1>, vector<16xi32>
      %broadcast_in_dim3A_339 = vector.shape_cast %select_n3A_338 : vector<16xi32> to vector<16x1xi32>
      %gather3A_340 = vector.shape_cast %broadcast_in_dim3A_339 : vector<16x1xi32> to vector<16xi32>
      %gather3A_341 = tpu.dynamic_gather %add3A_325[%gather3A_340] in [0] : vector<16xf32>, vector<16xi32> -> vector<16xf32>
      %add3A_342 = arith.addf %add3A_325, %gather3A_341 : vector<16xf32>
      %add3A_343 = arith.constant 2 : i32
      %add3A_344 = vector.broadcast %add3A_343 : i32 to vector<16xi32>
      %add3A_345 = arith.addi %iota3A, %add3A_344 : vector<16xi32>
      %rem3A_346 = arith.constant 16 : i32
      %rem3A_347 = vector.broadcast %rem3A_346 : i32 to vector<16xi32>
      %rem3A_348 = arith.remsi %add3A_345, %rem3A_347 : vector<16xi32>
      %lt3A_349 = arith.constant 0 : i32
      %lt3A_350 = vector.broadcast %lt3A_349 : i32 to vector<16xi32>
      %lt3A_351 = arith.cmpi slt, %rem3A_348, %lt3A_350 : vector<16xi32>
      %add3A_352 = arith.constant 16 : i32
      %add3A_353 = vector.broadcast %add3A_352 : i32 to vector<16xi32>
      %add3A_354 = arith.addi %rem3A_348, %add3A_353 : vector<16xi32>
      %select_n3A_355 = arith.select %lt3A_351, %add3A_354, %rem3A_348 : vector<16xi1>, vector<16xi32>
      %broadcast_in_dim3A_356 = vector.shape_cast %select_n3A_355 : vector<16xi32> to vector<16x1xi32>
      %gather3A_357 = vector.shape_cast %broadcast_in_dim3A_356 : vector<16x1xi32> to vector<16xi32>
      %gather3A_358 = tpu.dynamic_gather %add3A_342[%gather3A_357] in [0] : vector<16xf32>, vector<16xi32> -> vector<16xf32>
      %add3A_359 = arith.addf %add3A_342, %gather3A_358 : vector<16xf32>
      %add3A_360 = arith.constant 1 : i32
      %add3A_361 = vector.broadcast %add3A_360 : i32 to vector<16xi32>
      %add3A_362 = arith.addi %iota3A, %add3A_361 : vector<16xi32>
      %rem3A_363 = arith.constant 16 : i32
      %rem3A_364 = vector.broadcast %rem3A_363 : i32 to vector<16xi32>
      %rem3A_365 = arith.remsi %add3A_362, %rem3A_364 : vector<16xi32>
      %lt3A_366 = arith.constant 0 : i32
      %lt3A_367 = vector.broadcast %lt3A_366 : i32 to vector<16xi32>
      %lt3A_368 = arith.cmpi slt, %rem3A_365, %lt3A_367 : vector<16xi32>
      %add3A_369 = arith.constant 16 : i32
      %add3A_370 = vector.broadcast %add3A_369 : i32 to vector<16xi32>
      %add3A_371 = arith.addi %rem3A_365, %add3A_370 : vector<16xi32>
      %select_n3A_372 = arith.select %lt3A_368, %add3A_371, %rem3A_365 : vector<16xi1>, vector<16xi32>
      %broadcast_in_dim3A_373 = vector.shape_cast %select_n3A_372 : vector<16xi32> to vector<16x1xi32>
      %gather3A_374 = vector.shape_cast %broadcast_in_dim3A_373 : vector<16x1xi32> to vector<16xi32>
      %gather3A_375 = tpu.dynamic_gather %add3A_359[%gather3A_374] in [0] : vector<16xf32>, vector<16xi32> -> vector<16xf32>
      %add3A_376 = arith.addf %add3A_359, %gather3A_375 : vector<16xf32>
      %add3A_377 = arith.constant 1.000000e+00 : f32
      %add3A_378 = vector.broadcast %add3A_377 : f32 to vector<16xf32>
      %add3A_379 = arith.addf %add3A_376, %add3A_378 : vector<16xf32>
      %max3A = arith.constant 0.000000e+00 : f32
      %max3A_380 = vector.broadcast %max3A : f32 to vector<16xf32>
      %max3A_381 = arith.maximumf %add3A_379, %max3A_380 : vector<16xf32>
      %swap3A = arith.constant 0 : index
      %swap3A_382 = tpu.vector_load %arg10[%swap3A] {strides = array<i32>} : memref<16xf32, #tpu.memory_space<vmem>>, vector<16xf32>,
      %swap3A_383 = vector.shape_cast %swap3A_382 : vector<16xf32> to vector<16xf32>
      %swap3A_384 = vector.shape_cast %max3A_381 : vector<16xf32> to vector<16xf32>
      tpu.vector_store %arg10[%swap3A], %swap3A_384 {strides = array<i32>} : memref<16xf32, #tpu.memory_space<vmem>>, vector<16xf32>,
      "tpu.region"() ({
        %run_scoped3A = tpu.sem_alloc : memref<!tpu.dma_semaphore, #tpu.memory_space<semaphore_mem>>
        %dma_start3A_385 = arith.constant 0 : i32
        %dma_start3A_386 = tpu.memref_slice %arg10[%dma_start3A_385] : memref<16xf32, #tpu.memory_space<vmem>> -> memref<1xf32, #tpu.memory_space<vmem>>
        %dma_start3A_387 = arith.constant 0 : i32
        %dma_start3A_388 = tpu.memref_slice %arg10[%dma_start3A_387] : memref<16xf32, #tpu.memory_space<vmem>> -> memref<1xf32, #tpu.memory_space<vmem>>
        tpu.enqueue_dma source(%dma_start3A_388 : memref<1xf32, #tpu.memory_space<vmem>>) target(%arg5 : memref<1xf32, #tpu.memory_space<hbm>>) target_semaphore(%run_scoped3A : memref<!tpu.dma_semaphore, #tpu.memory_space<semaphore_mem>>)
        %dma_wait3A_389 = arith.constant 0 : i32
        %dma_wait3A_390 = tpu.memref_slice %arg10[%dma_wait3A_389] : memref<16xf32, #tpu.memory_space<vmem>> -> memref<1xf32, #tpu.memory_space<vmem>>
        %dma_wait3A_391 = arith.constant 0 : i32
        %dma_wait3A_392 = tpu.memref_slice %arg10[%dma_wait3A_391] : memref<16xf32, #tpu.memory_space<vmem>> -> memref<1xf32, #tpu.memory_space<vmem>>
        tpu.wait_dma2 semaphore(%run_scoped3A : memref<!tpu.dma_semaphore, #tpu.memory_space<semaphore_mem>>) src(%dma_wait3A_392 : memref<1xf32, #tpu.memory_space<vmem>>) dst(%arg5 : memref<1xf32, #tpu.memory_space<hbm>>)
        tpu.yield
      }) : () -> ()
    } else {
    }
    return
  }
}

</mosaic_0001>

<sc_bundles>
// kernel: _trans_e_loss.3.cloned.1.call-start
scs
__scs_entry_jumppad:
0x0: {  	(pc) =	sbr.rel $0x88, $3  }
0x1: {  	(tag) =	ssettag $0x0;
	lr =	simm.s32 $0x1  }
0x2: {  	[smem:$0x3F9E] =	sst lr;
	_ =	strace $0xD0000000  }
0x3: {  	_ = 	snop  }
0x4: {  	_ = 	snop  }
0x5: {  	_ = 	snop  }
0x6: {  	_ = 	snop  }
0x7: {  	_ = 	snop  }
__scs_overlays_trampoline_lowered:
0x8: {  	[smem:$0x3FAD] =	sst s0  }
0x9: {  	[smem:$0x3FAE] =	sst s1  }
0xa: {  	[smem:$0x3FAF] =	sst s2  }
0xb: {  	[smem:$0x3FB0] =	sst s3  }
0xc: {  	[smem:$0x3FB1] =	sst s4  }
0xd: {  	[smem:$0x3FB2] =	sst s5  }
0xe: {  	[smem:$0x3FB3] =	sst s6  }
0xf: {  	[smem:$0x3FB4] =	sst s7  }
0x10: {  	[smem:$0x3FB5] =	sst s8  }
0x11: {  	[smem:$0x3FB6] =	sst s9;
	s0 =	simm.s32 @!p0 $0x0  }
0x12: {  	s1 =	sld [smem:$0x3F9C];
	s0 =	simm.s32 @p0 $0x1  }
0x13: {  	[smem:$0x3FB7] =	sst s0;
	s0 =	simm.s32 @!p1 $0x0  }
0x14: {  	s2 =	sld [smem:$0x3F9B];
	s0 =	simm.s32 @p1 $0x1  }
0x15: {  	[smem:$0x3FB8] =	sst s0;
	s0 =	simm.s32 @!p2 $0x0  }
0x16: {  	s3 =	sld [smem:$0x3FDB];
	s0 =	simm.s32 @p2 $0x1  }
0x17: {  	s4 =	simm.s32 $0x1BF5;
	[smem:$0x3FBA] =	sst s0  }
0x18: {  	s0 =	sld [smem:$0x3F9D];
	_ =	swait.ge [sflag:s4], $0x0  }
0x19: {  	s7 =	sld [smem:$0x3F9E]  }
0x1a: {  	s8 =	sadd.s32 $0xFFFFE003, lr  }
0x1b: {  	s9 =	sadd.s32 $0xFFFFFEF7, lr;
	s5 =	simm.s32 $0xFFFFFFFF;
	p2 =	slt.u32 s8, $0xFFFFF086  }
0x1c: {  	p1 =	slt.u32 s9, $0xF7A;
	s5 =	simm.s32 @!p2 $0x0  }
0x1d: {  	s5 =	simm.s32 @p1 $0x1;
	p0 =	seq.s32 s7, s2  }
0x1e: {  	s7 =	smul.u32 @!p0 $0xF7A, s2;
	p2 =	seq.s32 @!p0 s5, $0x0  }
0x1f: {  	s9 =	smul.u32 $0xF7A, s1;
	s8 =	simm.s32 @!p0 $0x1BF5;
	p2 =	por !p2, p0  }
0x20: {  	[sflag:s8] =	ssyncset.s32 @!p0 $0xFFFFF086;
	s6 =	sadd.s32 @!p0 s3, s7;
	s7 =	simm.s32 @!p0 $0x108  }
0x21: {  	s3 =	sadd.s32 s3, s9;
	s6 =	sadd.s32 @!p0 $0x88, s6;
	s7 =	simm.s32 @p2 $0x1082  }
0x22: {  	[simem:s7], [sflag:s8] =	dma.local @!p0 [hbm:s6], $0xF7A  }
0x23: {  	s9 =	sor.u32 $0xD0000000, s2;
	s6 =	simm.s32 $0x108;
	_ =	swait.ge @!p0 [sflag:s8], $0x0  }
0x24: {  	s3 =	sadd.s32 $0x88, s3;
	s6 =	simm.s32 @!p1 $0x1082;
	[sflag:s4] =	ssyncset.s32 $0xFFFFF086  }
0x25: {  	[simem:s6], [sflag:s4] =	dma.local [hbm:s3], $0xF7A  }
0x26: {  	[smem:$0x3F9E] =	sst s1;
	(tag) =	ssettag s2;
	_ =	strace s9  }
0x27: {  	s1 =	sld [smem:$0x3FAE]  }
0x28: {  	s2 =	sld [smem:$0x3FAF]  }
0x29: {  	s4 =	sld [smem:$0x3FB1]  }
0x2a: {  	p0 =	seq.s32 s5, $0x0;
	s5 =	sld [smem:$0x3FB2]  }
0x2b: {  	s6 =	sld [smem:$0x3FB3]  }
0x2c: {  	s7 =	sld [smem:$0x3FB4]  }
0x2d: {  	s3 =	simm.s32 $0x108;
	s8 =	sld [smem:$0x3FB5]  }
0x2e: {  	s3 =	simm.s32 @!p0 $0x1082;
	s9 =	sld [smem:$0x3FB6]  }
0x2f: {  	lr =	sadd.s32 s0, s3;
	s0 =	sld [smem:$0x3FAD]  }
0x30: {  	s3 =	sld [smem:$0x3FB0]  }
0x31: {  	[smem:$0x3FB9] =	sst s10  }
0x32: {  	s10 =	sld [smem:$0x3FB7];
	_ =	sdelay $0x3  }
0x33: {  	p0 =	seq.s32 s10, $0x1;
	s10 =	sld [smem:$0x3FB9];
	_ =	sdelay $0x3  }
0x34: {  	[smem:$0x3FB9] =	sst s10  }
0x35: {  	s10 =	sld [smem:$0x3FB8];
	_ =	sdelay $0x3  }
0x36: {  	p1 =	seq.s32 s10, $0x1;
	s10 =	sld [smem:$0x3FB9];
	_ =	sdelay $0x3  }
0x37: {  	[smem:$0x3FB9] =	sst s10  }
0x38: {  	s10 =	sld [smem:$0x3FBA]  }
0x39: {  	_ = 	snop;
	(pc) =	sbr.ind lr, $3  }
0x3a: {  	_ = 	snop  }
0x3b: {  	_ = 	snop  }
0x3c: {  	p2 =	seq.s32 s10, $0x1;
	s10 =	sld [smem:$0x3FB9]  }
0x3d: {  	_ =	shalt  }
0x3e: {  	_ =	shalt  }
0x3f: {  	_ =	shalt  }
0x40: {  	_ =	shalt  }
0x41: {  	_ =	shalt  }
0x42: {  	_ =	shalt  }
0x43: {  	_ =	shalt  }
0x44: {  	_ =	shalt  }
0x45: {  	_ =	shalt  }
0x46: {  	_ =	shalt  }
0x47: {  	_ =	shalt  }
0x48: {  	_ =	shalt  }
0x49: {  	_ =	shalt  }
0x4a: {  	_ =	shalt  }
0x4b: {  	_ =	shalt  }
0x4c: {  	_ =	shalt  }
0x4d: {  	_ =	shalt  }
0x4e: {  	_ =	shalt  }
0x4f: {  	_ =	shalt  }
0x50: {  	_ =	shalt  }
0x51: {  	_ =	shalt  }
0x52: {  	_ =	shalt  }
0x53: {  	_ =	shalt  }
0x54: {  	_ =	shalt  }
0x55: {  	_ =	shalt  }
0x56: {  	_ =	shalt  }
0x57: {  	_ =	shalt  }
0x58: {  	_ =	shalt  }
0x59: {  	_ =	shalt  }
0x5a: {  	_ =	shalt  }
0x5b: {  	_ =	shalt  }
0x5c: {  	_ =	shalt  }
0x5d: {  	_ =	shalt  }
0x5e: {  	_ =	shalt  }
0x5f: {  	_ =	shalt  }
0x60: {  	_ =	shalt  }
0x61: {  	_ =	shalt  }
0x62: {  	_ =	shalt  }
0x63: {  	_ =	shalt  }
0x64: {  	_ =	shalt  }
0x65: {  	_ =	shalt  }
0x66: {  	_ =	shalt  }
0x67: {  	_ =	shalt  }
0x68: {  	_ =	shalt  }
0x69: {  	_ =	shalt  }
0x6a: {  	_ =	shalt  }
0x6b: {  	_ =	shalt  }
0x6c: {  	_ =	shalt  }
0x6d: {  	_ =	shalt  }
0x6e: {  	_ =	shalt  }
0x6f: {  	_ =	shalt  }
0x70: {  	_ =	shalt  }
0x71: {  	_ =	shalt  }
0x72: {  	_ =	shalt  }
0x73: {  	_ =	shalt  }
0x74: {  	_ =	shalt  }
0x75: {  	_ =	shalt  }
0x76: {  	_ =	shalt  }
0x77: {  	_ =	shalt  }
0x78: {  	_ =	shalt  }
0x79: {  	_ =	shalt  }
0x7a: {  	_ =	shalt  }
0x7b: {  	_ =	shalt  }
0x7c: {  	_ =	shalt  }
0x7d: {  	_ =	shalt  }
0x7e: {  	_ =	shalt  }
0x7f: {  	_ =	shalt  }
0x80: {  	_ =	shalt  }
0x81: {  	_ =	shalt  }
0x82: {  	_ =	shalt  }
0x83: {  	_ =	shalt  }
0x84: {  	_ =	shalt  }
0x85: {  	_ =	shalt  }
0x86: {  	_ =	shalt  }
0x87: {  	_ =	shalt  }
.Lfunc_end0:
.L_simem_size_0:
called_computation_lowered:
.L_overlay_start_0:
0x88: {  	s0 =	sld [smem:$0x3FD9]  }
0x89: {  	s1 =	sld [smem:$0x3FFE];
	_ =	sdelay $0x3  }
0x8a: {  	s0 =	sadd.s32 s1, s0  }
0x8b: {  	[smem:$0x3FC5] =	sst s0  }
0x8c: {  	_ = 	snop  }
0x8d: {  	s0 =	sld [smem:$0x3FC9]  }
0x8e: {  	s17 =	sld [smem:$0x3FC8]  }
0x8f: {  	s2 =	sld [smem:$0x3FC7]  }
0x90: {  	s3 =	sld [smem:$0x3FD0];
	(tm) =	ssettm $0x1  }
0x91: {  	s4 =	sld [smem:$0x3FFB];
	_ =	sdelay $0x3  }
0x92: {  	_ =	strace s4  }
0x93: {  	s4 =	sld [smem:$0x3FFC];
	_ =	sdelay $0x3  }
0x94: {  	_ =	strace s4  }
0x95: {  	s4 =	sld [smem:$0x3FFD];
	_ =	sdelay $0x3  }
0x96: {  	_ =	strace s4  }
0x97: {  	_ =	strace $0x8FFFFFFF  }
0x98: {  	s18 =	sld [smem:$0x3FDB];
	_ =	sdelay $0x1  }
0x99: {  	s5 =	simm.s32 $_scs_section_size  }
0x9a: {  	s6 =	simm.s32 $_size__tile_overlayer_lowered;
	s7 =	simm.s32 $_tile_overlayer_lowered  }
0x9b: {  	s21 =	simm.s32 $0x1BFF;
	s20 =	sshll.u32 s7, $0x1;
	s4 =	sadd.s32 s5, s18  }
0x9c: {  	s8 =	simm.s32 $0x0;
	s19 =	sshll.u32 s6, $0x1;
	s6 =	sadd.s32 s20, s4  }
0x9d: {  	[timem:s8], [sflag:s21] =	dma.local [hbm:s6], s19  }
0x9e: {  	_ =	swait.ge [sflag:s21], s19  }
0x9f: {  	s5 =	ssub.s32 $0x0, s19;
	[sflag:s21] =	ssyncset.done $0x0  }
0xa0: {  	[sflag:s21] =	ssyncadd.s32 s5;
	_ =	sdelay $0x1  }
0xa1: {  	s22 =	simm.s32 $0x1B8B  }
0xa2: {  	_ =	swait.ge [sflag:s22], $0x1  }
0xa3: {  	[sflag:s22] =	ssyncset.done $0x0  }
0xa4: {  	s23 =	simm.s32 $0x1B8E;
	[sflag:s22] =	ssyncadd.s32 $0xFFFFFFFF  }
0xa5: {  	s24 =	simm.s32 $execute0_lowered;
	[smem:$0x3FD2] =	sst s23  }
0xa6: {  	s5 =	sshll.u32 s24, $0x1;
	_ =	strace $0x80000046;
	[dreg:$0x1] =	wrdreg $0xFFFFFFFF  }
0xa7: {  	s25 =	simm.s32 $_size_execute0_lowered;
	s4 =	sadd.s32 s4, s5;
	[dreg:$0x0] =	wrdreg $0x0  }
0xa8: {  	s5 =	sshll.u32 s25, $0x1;
	[dreg:$0x2] =	wrdreg s4  }
0xa9: {  	[dreg:$0x3] =	wrdreg s5  }
0xaa: {  	[dreg:$0x4] =	wrdreg $0xC0  }
0xab: {  	_ =	task [dreg:s8], $0x5FFFF  }
0xac: {  	[dreg:$0x1] =	wrdreg $0xFFFFFFFF  }
0xad: {  	[dreg:$0x0] =	wrdreg $0x60  }
0xae: {  	[dreg:$0x2] =	wrdreg s0  }
0xaf: {  	[dreg:$0x3] =	wrdreg s17  }
0xb0: {  	[dreg:$0x4] =	wrdreg s2  }
0xb1: {  	[dreg:$0x5] =	wrdreg s3  }
0xb2: {  	[dreg:$0x6] =	wrdreg $0x9  }
0xb3: {  	_ =	task.clear_ibuf [dreg:s8], $0x7FFFF;
	_ =	strace $0x90000046  }
0xb4: {  	s26 =	simm.s32 $0x9;
	_ =	strace $0x80000048  }
0xb5: {  	_ =	swait.ge [sflag:s26], $0x1  }
0xb6: {  	[sflag:s26] =	ssyncadd.s32 $0xFFFFFFFF  }
0xb7: {  	_ =	strace $0x90000048  }
0xb8: {  	_ =	sfence  }
0xb9: {  	s28 =	sld [smem:$0x0];
	_ =	sdelay $0x1  }
0xba: {  	s29 =	srdreg.scid  }
0xbb: {  	s30 =	sshll.u32 s29, $0xD;
	s31 =	sshrl.u32 s29, $0x2  }
0xbc: {  	s1 =	sand.u32 $0x1, s29;
	s2 =	sand.u32 $0x4000, s30;
	s0 =	sadd.s32 s31, s28  }
0xbd: {  	s1 =	sor.u32 s2, s1;
	s0 =	sshll.u32 s0, $0x11  }
0xbe: {  	s0 =	sor.u32 s0, s1  }
0xbf: {  	s0 =	sadd.s32 $0x8F2B, s0  }
0xc0: {  	[sflag:s0] =	ssyncadd.remote.s32 $0x1  }
0xc1: {  	_ =	sfence.sel $0xFFFF  }
0xc2: {  	[dreg:$0x0] =	wrdreg $0xFFFFFFFF;
	(pc) =	sbr.abs _section_cstart, $3  }
0xc3: {  	[dreg:$0x1] =	wrdreg $0xFFFFFFFF  }
0xc4: {  	_ =	task.clear_ibuf [dreg:s8], $0x2FFFF;
	_ =	strace $0x9FFFFFFF  }
0xc5: {  	(tm) =	ssettm $0x7FFFFFFF  }
tec
execute0_lowered:
.L_overlay_start_1:
0x0: {  	(tag) =	ssettag $0x1  }
0x1: {  	s5 =	rddreg [dreg:$0x0]  }
0x2: {  	s4 =	rddreg [dreg:$0x1]  }
0x3: {  	s3 =	rddreg [dreg:$0x2]  }
0x4: {  	s1 =	rddreg [dreg:$0x3];
	s2 =	stileid.u32  }
0x5: {  	s0 =	rddreg [dreg:$0x4];
	_ =	strace $0x80000047;
	p0 =	sne.s32 s2, $0x0  }
0x6: {  	_ =	sfence.sel @p0 $0x180000  }
0x7: {  	[bflag:$0x0] =	sbarrier.arrive @p0 $0xFFFF  }
0x8: {  	_ =	strace @p0 $0x90000047  }
0x9: {  	[bflag:$0x2] =	sbarrier.arrive @p0 $0xFFFF  }
0xa: {  	_ =	shalt @p0  }
.LBB2_1:
0xb: {  	s2 =	simm.s32 $0x0  }
0xc: {  	[tilespmem:s2], [sflag:$0x1] =	stream.linear.gather [hbm4b:s5+s2], $0x80, $0x38;
	[tilespmem:$0x580] =	vst v63  }
0xd: {  	s23 =	simm.s32 $0x80;
	s24 =	simm.s32 $0x1  }
0xe: {  	[tilespmem:s23], [sflag:$0x2] =	stream.linear.gather [hbm4b:s4+s2], $0x80, $0x38;
	[tilespmem:$0x580] =	vst v63  }
0xf: {  	_ =	swait.ge [sflag:s24], $0x80  }
0x10: {  	s25 =	simm.s32 $0x3;
	[sflag:s24] =	ssyncset.done $0x0  }
0x11: {  	s6 =	simm.s32 $0x100;
	s26 =	simm.s32 $0x2;
	[sflag:s24] =	ssyncadd.s32 $0xFFFFFF80  }
0x12: {  	[tilespmem:s6], [sflag:$0x3] =	stream.indirect.gather [hbm4b:s3+s25], $0x80, s2, s25, $0xb8;
	[tilespmem:$0x580] =	vst v63  }
0x13: {  	_ =	swait.ge [sflag:s26], $0x80  }
0x14: {  	[sflag:s26] =	ssyncset.done $0x0  }
0x15: {  	s28 =	simm.s32 $0x300;
	[sflag:s26] =	ssyncadd.s32 $0xFFFFFF80  }
0x16: {  	[tilespmem:s28], [sflag:$0x4] =	stream.indirect.gather [hbm4b:s3+s25], $0x80, s23, s25, $0xb8;
	[tilespmem:$0x580] =	vst v63  }
0x17: {  	_ =	swait.ge [sflag:s25], $0x180  }
0x18: {  	[sflag:s25] =	ssyncset.done $0x0  }
0x19: {  	[sflag:s25] =	ssyncadd.s32 $0xFFFFFE80  }
0x1a: {  	v0 =	vld [tilespmem:$0x100]  }
0x1b: {  	v1 =	vld [tilespmem:$0x180]  }
0x1c: {  	v2 =	vld [tilespmem:$0x200]  }
0x1d: {  	v3 =	vld [tilespmem:$0x110]  }
0x1e: {  	v4 =	vld [tilespmem:$0x190]  }
0x1f: {  	v5 =	vld [tilespmem:$0x210]  }
0x20: {  	v6 =	vld [tilespmem:$0x120]  }
0x21: {  	v7 =	vld [tilespmem:$0x1A0]  }
0x22: {  	v8 =	vld [tilespmem:$0x220]  }
0x23: {  	v9 =	vld [tilespmem:$0x130]  }
0x24: {  	v10 =	vld [tilespmem:$0x1B0]  }
0x25: {  	v11 =	vld [tilespmem:$0x230]  }
0x26: {  	v12 =	vld [tilespmem:$0x140]  }
0x27: {  	v13 =	vld [tilespmem:$0x1C0]  }
0x28: {  	v14 =	vld [tilespmem:$0x240]  }
0x29: {  	v15 =	vld [tilespmem:$0x150]  }
0x2a: {  	v16 =	vld [tilespmem:$0x1D0]  }
0x2b: {  	v17 =	vld [tilespmem:$0x250]  }
0x2c: {  	v18 =	vld [tilespmem:$0x160]  }
0x2d: {  	v19 =	vld [tilespmem:$0x1E0]  }
0x2e: {  	v20 =	vld [tilespmem:$0x260]  }
0x2f: {  	v21 =	vld [tilespmem:$0x170]  }
0x30: {  	s29 =	simm.s32 $0x4;
	v22 =	vld [tilespmem:$0x1F0]  }
0x31: {  	v23 =	vld [tilespmem:$0x270];
	_ =	swait.ge [sflag:s29], $0x180  }
0x32: {  	[sflag:s29] =	ssyncset.done $0x0  }
0x33: {  	[sflag:s29] =	ssyncadd.s32 $0xFFFFFE80;
	v0 =	vadd.f32 v1, v0;
	v59 =	vadd.f32 v4, v3  }
0x34: {  	v61 =	vld [tilespmem:$0x300];
	v60 =	vadd.f32 v7, v6  }
0x35: {  	v62 =	vld [tilespmem:$0x380];
	v0 =	vsub.f32 v0, v2;
	v1 =	vsub.f32 v59, v5  }
0x36: {  	v63 =	vld [tilespmem:$0x400];
	v24 =	vadd.f32 v10, v9  }
0x37: {  	v25 =	vld [tilespmem:$0x310];
	v3 =	vsub.f32 v60, v8;
	v0 =	vand.u32 $0x7FFFFFFF, v0;
	v1 =	vand.u32 $0x7FFFFFFF, v1  }
0x38: {  	v26 =	vld [tilespmem:$0x390];
	v0 =	vadd.f32 v1, v0  }
0x39: {  	v28 =	vld [tilespmem:$0x410];
	v27 =	vadd.f32 v13, v12;
	v6 =	vsub.f32 v24, v11;
	v3 =	vand.u32 $0x7FFFFFFF, v3  }
0x3a: {  	v29 =	vld [tilespmem:$0x320];
	v0 =	vadd.f32 v3, v0  }
0x3b: {  	v31 =	vld [tilespmem:$0x3A0];
	v30 =	vadd.f32 v16, v15;
	v8 =	vsub.f32 v27, v14;
	v6 =	vand.u32 $0x7FFFFFFF, v6  }
0x3c: {  	v32 =	vld [tilespmem:$0x420];
	v0 =	vadd.f32 v6, v0  }
0x3d: {  	v34 =	vld [tilespmem:$0x330];
	v33 =	vadd.f32 v19, v18;
	v10 =	vsub.f32 v30, v17;
	v8 =	vand.u32 $0x7FFFFFFF, v8  }
0x3e: {  	v35 =	vld [tilespmem:$0x3B0];
	v0 =	vadd.f32 v8, v0  }
0x3f: {  	v37 =	vld [tilespmem:$0x430];
	v36 =	vadd.f32 v22, v21;
	v12 =	vsub.f32 v33, v20;
	v10 =	vand.u32 $0x7FFFFFFF, v10  }
0x40: {  	v38 =	vld [tilespmem:$0x340];
	v0 =	vadd.f32 v10, v0  }
0x41: {  	v39 =	vld [tilespmem:$0x3C0];
	v14 =	vsub.f32 v36, v23;
	v2 =	vadd.f32 v62, v61;
	v12 =	vand.u32 $0x7FFFFFFF, v12  }
0x42: {  	v40 =	vld [tilespmem:$0x440];
	v0 =	vadd.f32 v12, v0  }
0x43: {  	v42 =	vld [tilespmem:$0x350];
	v41 =	vand.u32 $0x7FFFFFFF, v14;
	v2 =	vsub.f32 v2, v63;
	v1 =	vadd.f32 v26, v25  }
0x44: {  	v43 =	vld [tilespmem:$0x3D0];
	v0 =	vadd.f32 v41, v0  }
0x45: {  	v44 =	vld [tilespmem:$0x450];
	v1 =	vsub.f32 v1, v28;
	v2 =	vand.u32 $0x7FFFFFFF, v2;
	v3 =	vadd.f32 v31, v29  }
0x46: {  	v45 =	vld [tilespmem:$0x360];
	v0 =	vsub.f32 v0, v2  }
0x47: {  	v47 =	vld [tilespmem:$0x3E0];
	v46 =	vadd.f32 v35, v34;
	v3 =	vsub.f32 v3, v32;
	v1 =	vand.u32 $0x7FFFFFFF, v1  }
0x48: {  	v48 =	vld [tilespmem:$0x460];
	v0 =	vsub.f32 v0, v1  }
0x49: {  	v49 =	vld [tilespmem:$0x370];
	v4 =	vadd.f32 v39, v38;
	v6 =	vsub.f32 v46, v37;
	v3 =	vand.u32 $0x7FFFFFFF, v3  }
0x4a: {  	v50 =	vld [tilespmem:$0x3F0];
	v5 =	vadd.f32 v43, v42;
	v0 =	vsub.f32 v0, v3  }
0x4b: {  	v4 =	vsub.f32 v4, v40;
	v6 =	vand.u32 $0x7FFFFFFF, v6  }
0x4c: {  	v51 =	vld [tilespmem:$0x470];
	v5 =	vsub.f32 v5, v44;
	v0 =	vsub.f32 v0, v6  }
0x4d: {  	v53 =	vimm.s32 $0xFEDCBA98;
	v4 =	vand.u32 $0x7FFFFFFF, v4;
	v2 =	vadd.f32 v47, v45  }
0x4e: {  	v54 =	vimm.s32 $0x76543210;
	v52 =	vand.u32 $0x7FFFFFFF, v5;
	v0 =	vsub.f32 v0, v4  }
0x4f: {  	v1 =	vsub.f32 v2, v48;
	v3 =	vadd.f32 v50, v49;
	v4 =	vunpack.c.l.s4.s8 v53  }
0x50: {  	v2 =	vunpack.c.l.s4.s8 v54;
	v0 =	vsub.f32 v0, v52  }
0x51: {  	v1 =	vand.u32 $0x7FFFFFFF, v1;
	v3 =	vsub.f32 v3, v51;
	v55 =	vunpack.c.0.s8.s32 v4  }
0x52: {  	v2 =	vunpack.c.0.s8.s32 v2;
	v0 =	vsub.f32 v0, v1  }
0x53: {  	v56 =	vimm.s32 $0x3210FEDC;
	v3 =	vand.u32 $0x7FFFFFFF, v3;
	v1 =	vand.u32 $0xF, v55  }
0x54: {  	v57 =	vimm.s32 $0xBA987654;
	v1 =	vcombine.low v1, v2;
	v0 =	vsub.f32 v0, v3  }
0x55: {  	v2 =	vunpack.c.l.s4.s8 v56;
	v3 =	vunpack.c.l.s4.s8 v57  }
0x56: {  	v1 =	vperm.xlane v0, v1  }
0x57: {  	v2 =	vunpack.c.0.s8.s32 v2;
	v3 =	vunpack.c.0.s8.s32 v3  }
0x58: {  	v59 =	vimm.s32 $0x10FEDCBA;
	v60 =	vimm.s32 $0x98765432;
	v0 =	vadd.f32 v0, v1  }
0x59: {  	v58 =	vcombine.low v3, v2;
	v2 =	vunpack.c.l.s4.s8 v59;
	v3 =	vunpack.c.l.s4.s8 v60  }
0x5a: {  	v62 =	vimm.s32 $0x87654321  }
0x5b: {  	v1 =	vperm.xlane v0, v58;
	v2 =	vunpack.c.0.s8.s32 v2;
	v3 =	vunpack.c.0.s8.s32 v3  }
0x5c: {  	v61 =	vimm.s32 $0xFEDCBA9;
	v63 =	vunpack.c.l.s4.s8 v62  }
0x5d: {  	v0 =	vadd.f32 v0, v1;
	v2 =	vcombine.low v3, v2;
	v1 =	vunpack.c.l.s4.s8 v61;
	_ =	sdelay $0x1  }
0x5e: {  	v3 =	vunpack.c.0.s8.s32 v63;
	v2 =	vperm.xlane v0, v2;
	v1 =	vunpack.c.0.s8.s32 v1;
	_ =	sdelay $0x1  }
0x5f: {  	v0 =	vadd.f32 v0, v2;
	v1 =	vcombine.low v3, v1;
	_ =	sdelay $0x1  }
0x60: {  	v1 =	vperm.xlane v0, v1;
	_ =	sdelay $0x1  }
0x61: {  	v0 =	vadd.f32 v0, v1;
	_ =	sdelay $0x1  }
0x62: {  	v0 =	vadd.f32 $1.000000000e+00, v0;
	_ =	sdelay $0x1  }
0x63: {  	v0 =	vmax.f32 v0, $0.0e+00  }
0x64: {  	s30 =	simm.s32 $0x500;
	s31 =	simm.s32 $0x5;
	[tilespmem:$0x500] =	vst v0  }
0x65: {  	[hbm4b:s1+s2] =	stream.linear.scatter [tilespmem:s30], [sflag:$0x5], $0x1, $0x38;
	[tilespmem:$0x580] =	vst v63  }
0x66: {  	_ =	swait.ge [sflag:s31], $0x1  }
0x67: {  	[sflag:s31] =	ssyncset.done $0x0  }
0x68: {  	[sflag:s31] =	ssyncadd.s32 $0xFFFFFFFF  }
0x69: {  	_ =	sfence.sel $0x180000  }
0x6a: {  	[bflag:$0x0] =	sbarrier.arrive $0xFFFF  }
0x6b: {  	_ =	strace $0x90000047  }
0x6c: {  	s0 =	sadd.s32 $0x100000, s0;
	[bflag:$0x2] =	sbarrier.arrive $0xFFFF  }
0x6d: {  	[sflag:s0] =	ssyncadd.tile.s32 $0x1;
	_ =	shalt  }
.Lfunc_end2:
_tile_overlayer_lowered:
.L_overlay_start_2:
0x6e: {  	(tag) =	ssettag $0x2  }
0x6f: {  	s0 =	rddreg [dreg:$0x0];
	s2 =	stileid.u32  }
0x70: {  	s1 =	rddreg [dreg:$0x1];
	p0 =	sne.s32 s2, $0x0  }
0x71: {  	s3 =	rddreg [dreg:$0x2];
	[bflag:$0x3] =	sbarrier.arrive $0xFFFF;
	s2 =	simm.s32 @!p0 $0x1C05  }
0x72: {  	[timem:s3], [sflag:s2] =	dma.local @!p0 [hbm:s0], s1  }
0x73: {  	s0 =	simm.s32 @!p0 $0x5  }
0x74: {  	_ =	swait.ge @!p0 [sflag:s0], s1  }
0x75: {  	s1 =	ssub.s32 @!p0 $0x0, s1;
	[sflag:s0] =	ssyncset.done @!p0 $0x0  }
0x76: {  	[sflag:s0] =	ssyncadd.s32 @!p0 s1  }
0x77: {  	[bflag:$0x3] =	sbarrier.arrive $0xFFFF  }
0x78: {  	_ =	shalt  }

</sc_bundles>
